<compile_context>
chip_gen: v7x
topology: tpu7x:2x2x1
jax: 0.10.2.dev20260603
libtpu: 0.0.44.dev20260713+nightly
codegen_flags: <defaults>
</compile_context>

<pallas_src>
import functools

import jax
import jax.numpy as jnp
from jax import lax
from jax.experimental import pallas as pl
from jax.experimental.pallas import tpu as pltpu
from jax.experimental.pallas import tpu_sc as plsc

_B = 4096
_N = 1024
_NC = 2
_NS = 16
_NW = _NC * _NS
_ROWS_PER_W = _B // _NW
_CHUNK = 8
_NCHUNK = _ROWS_PER_W // _CHUNK
_L = 16
_NSL = _N // _L


def _make_sc_kernel():
    mesh = plsc.VectorSubcoreMesh(core_axis_name="c", subcore_axis_name="s")

    @functools.partial(
        pl.kernel,
        mesh=mesh,
        out_type=jax.ShapeDtypeStruct((_B, _N), jnp.float32),
        scratch_types=[
            pltpu.VMEM((_CHUNK, _N), jnp.float32),
            pltpu.VMEM((_CHUNK, _N), jnp.float32),
        ],
    )
    def sc_kernel(r_hbm, out_hbm, in_v, out_v):
        wid = lax.axis_index("s") * _NC + lax.axis_index("c")
        base = wid * _ROWS_PER_W

        ones_i = jnp.ones((_L,), jnp.int32)
        zeros_i = jnp.zeros((_L,), jnp.int32)
        ones_f = jnp.ones((_L,), jnp.float32)
        zeros_f = jnp.zeros((_L,), jnp.float32)

        def chunk_body(c, carry):
            row0 = base + c * _CHUNK
            pltpu.sync_copy(r_hbm.at[pl.ds(row0, _CHUNK)], in_v)

            def row_body(i, carry2):
                def cnt_body(j, acc):
                    x = in_v[i, pl.ds(j * _L, _L)]
                    return acc + jnp.where(x < 0, ones_i, zeros_i)

                cnt = lax.fori_loop(0, _NSL, cnt_body, zeros_i)
                par = cnt & 1
                lanes = lax.iota(jnp.int32, _L)
                for s in (8, 4, 2, 1):
                    par = par ^ par.at[lanes ^ s].get(
                        mode="promise_in_bounds")
                even = par == 0

                def out_body(j, carry3):
                    x = in_v[i, pl.ds(j * _L, _L)]
                    val = jnp.where(jnp.logical_and(x < 0, even),
                                    ones_f, zeros_f)
                    out_v[i, pl.ds(j * _L, _L)] = val
                    return carry3

                return lax.fori_loop(0, _NSL, out_body, carry2)

            lax.fori_loop(0, _CHUNK, row_body, 0)
            pltpu.sync_copy(out_v, out_hbm.at[pl.ds(row0, _CHUNK)])
            return carry

        lax.fori_loop(0, _NCHUNK, chunk_body, 0)

    return sc_kernel


_SC_KERNEL = _make_sc_kernel()


def kernel(r, PermGrp):
    del PermGrp
    return _SC_KERNEL(r)

# --- scband reference (transcript-rebuilt; emitter-appended) ---
"""Pipeline reference for scband-m-rrd-42606075576370 (READ-ONLY COPY).

The authoritative reference and input builder live on the scoring server;
editing this copy changes nothing except your own understanding.
"""

import jax, jax.numpy as jnp
import numpy as np

B = 4096
N = 1024
P = 100
D_MIN = 112
WIDTH = 3
LENGTH = 4


def setup_inputs(seed: int = 0):
    key = jax.random.key(seed)
    r = jax.random.normal(key, (B, N), dtype=jnp.float32)
    perms = np.stack([np.random.RandomState(1000 + i).permutation(N) for i in range(P)]).astype(np.int64)
    return {'r': r, 'PermGrp': jnp.asarray(perms)}


def _decoder(rr, j):
    # stand-in for the injected inner decoder (bp/min-sum): one smoothing step,
    # hard-decision codeword, and a parity-based success flag
    rr_new = 0.9 * rr + 0.1 * jnp.tanh(rr)
    Y = (rr_new < 0).astype(rr.dtype)
    success = (jnp.sum(Y, axis=1).astype(jnp.int32) % 2) == 0
    return rr_new, Y, success


def _Lambda(r, z, v):
    d1 = jnp.logical_xor(z != 0, v != 0)
    return jnp.sum(d1.astype(r.dtype) * jnp.abs(r), axis=1)


def _ml_criterion(r, z, v, lam):
    d1 = jnp.logical_xor(z != 0, v != 0)
    d0 = jnp.logical_not(d1)
    n_v = jnp.sum(d1.astype(jnp.int32), axis=1)
    delta = D_MIN - n_v
    sr = r * d0.astype(r.dtype)
    sr = jnp.where(sr == 0, jnp.inf, sr)
    delta = jnp.maximum(delta, 0)
    GT = jnp.zeros_like(lam)
    sr = jnp.sort(jnp.abs(sr), axis=1)
    sums = jnp.cumsum(sr, axis=1)
    GT = jnp.where(jnp.sum(delta) == 0, GT, sums[jnp.arange(delta.shape[0]), delta])
    return lam <= GT


def _forward(r, PermGrp):
    key = jax.random.key(42)
    y = jnp.where(r > 0, 0.0, jnp.where(r < 0, 1.0, r)).astype(r.dtype)
    minDist = jnp.full((r.shape[0],), jnp.inf, dtype=r.dtype)
    minCodeword = jnp.zeros_like(r)
    rows = jnp.arange(r.shape[0])[:, None]
    complexity = jnp.zeros((r.shape[0],), dtype=r.dtype)
    done = jnp.asarray(False)
    for i in range(WIDTH):
        rr = r
        Y = jnp.zeros_like(r)
        success_flags = jnp.zeros((r.shape[0],), dtype=bool)
        inner_done = done
        for j in range(LENGTH):
            new_key, sub = jax.random.split(key)
            key = jax.random.wrap_key_data(
                jnp.where(inner_done, jax.random.key_data(key), jax.random.key_data(new_key)))
            sel = jax.random.randint(sub, (r.shape[0],), 0, PermGrp.shape[0])
            perm_index = PermGrp[sel]
            rr_p = jnp.take_along_axis(rr, perm_index, axis=1)
            rr_d, Y_d, sf_d = _decoder(rr_p, j)
            Y_d = Y_d.at[rows, perm_index].set(Y_d)
            rr_d = rr_d.at[rows, perm_index].set(rr_d)
            rr = jnp.where(inner_done, rr, rr_d)
            Y = jnp.where(inner_done, Y, Y_d)
            success_flags = jnp.where(inner_done, success_flags, sf_d)
            inner_done = jnp.logical_or(inner_done, jnp.sum(success_flags) == r.shape[0])
        Y = Y * success_flags.astype(Y.dtype)[:, None]
        distances = _Lambda(r, y, Y)
        newMin = distances <= minDist
        minDist_new = jnp.where(newMin, distances, minDist)
        minCodeword_new = jnp.where(newMin[:, None], Y, minCodeword)
        minDist = jnp.where(done, minDist, minDist_new)
        minCodeword = jnp.where(done, minCodeword, minCodeword_new)
        MLFlags = _ml_criterion(r, y, minCodeword, minDist)
        complexity = jnp.where(done, complexity, complexity + MLFlags.astype(complexity.dtype))
        done = jnp.logical_or(done, jnp.sum(MLFlags) == r.shape[0])
    return minCodeword


def reference(r, PermGrp):
    return _forward(r, PermGrp)

if __name__ == "__main__":
    import jax
    _d = setup_inputs()
    print(jax.jit(kernel)(*tuple(_d.values())))

</pallas_src>

<mosaic_0001>
#map = affine_map<(d0, d1) -> (0, 0)>
module attributes {stable_mosaic.version = 14 : i64} {
  func.func @sc_kernel(%arg0: i32, %arg1: i32, %arg2: memref<4096x1024xf32, #tpu.memory_space<hbm>>, %arg3: memref<4096x1024xf32, #tpu.memory_space<hbm>>, %arg4: memref<8x1024xf32, #tpu.memory_space<vmem>>, %arg5: memref<8x1024xf32, #tpu.memory_space<vmem>>) attributes {dimension_semantics = [#tpu.dimension_semantics<core_parallel>, #tpu.dimension_semantics<subcore_parallel>], iteration_bounds = array<i64: 2, 16>, scalar_prefetch = 0 : i64, scratch_operands = 2 : i64, tpu.core_type = #tpu.core_type<sc_vector_subcore>, window_params = [{transform_indices = #map}, {transform_indices = #map}]} {
    %mul3A = arith.constant 2 : i32
    %mul3A_0 = arith.muli %arg1, %mul3A : i32
    %add3A = arith.addi %mul3A_0, %arg0 : i32
    %mul3A_1 = arith.constant 128 : i32
    %mul3A_2 = arith.muli %add3A, %mul3A_1 : i32
    %broadcast_in_dim3A = arith.constant 1 : i32
    %broadcast_in_dim3A_3 = vector.broadcast %broadcast_in_dim3A : i32 to vector<16xi32>
    %broadcast_in_dim3A_4 = arith.constant 0 : i32
    %broadcast_in_dim3A_5 = vector.broadcast %broadcast_in_dim3A_4 : i32 to vector<16xi32>
    %broadcast_in_dim3A_6 = arith.constant 1.000000e+00 : f32
    %broadcast_in_dim3A_7 = vector.broadcast %broadcast_in_dim3A_6 : f32 to vector<16xf32>
    %broadcast_in_dim3A_8 = arith.constant 0.000000e+00 : f32
    %broadcast_in_dim3A_9 = vector.broadcast %broadcast_in_dim3A_8 : f32 to vector<16xf32>
    %scan3A = arith.constant 0 : i32
    %scan3A_10 = arith.constant 0 : i32
    %scan3A_11 = arith.constant 16 : i32
    %scan3A_12 = arith.addi %scan3A_10, %scan3A_11 : i32
    %scan3A_13 = arith.constant 1 : i32
    scf.for %scan3A_15 = %scan3A_10 to %scan3A_12 step %scan3A_13  : i32 {
      %mul3A_16 = arith.constant 8 : i32
      %mul3A_17 = arith.muli %scan3A_15, %mul3A_16 : i32
      %add3A_18 = arith.addi %mul3A_2, %mul3A_17 : i32
      "tpu.region"() ({
        %run_scoped3A = tpu.sem_alloc : memref<!tpu.dma_semaphore, #tpu.memory_space<semaphore_mem>>
        %dma_start3A = arith.constant 0 : i32
        %dma_start3A_25 = tpu.memref_slice %arg2[%add3A_18, %dma_start3A] : memref<4096x1024xf32, #tpu.memory_space<hbm>> -> memref<8x1024xf32, #tpu.memory_space<hbm>>
        %dma_start3A_26 = arith.constant 0 : i32
        %dma_start3A_27 = tpu.memref_slice %arg2[%add3A_18, %dma_start3A_26] : memref<4096x1024xf32, #tpu.memory_space<hbm>> -> memref<8x1024xf32, #tpu.memory_space<hbm>>
        tpu.enqueue_dma source(%dma_start3A_27 : memref<8x1024xf32, #tpu.memory_space<hbm>>) target(%arg4 : memref<8x1024xf32, #tpu.memory_space<vmem>>) target_semaphore(%run_scoped3A : memref<!tpu.dma_semaphore, #tpu.memory_space<semaphore_mem>>)
        %dma_wait3A = arith.constant 0 : i32
        %dma_wait3A_28 = tpu.memref_slice %arg2[%add3A_18, %dma_wait3A] : memref<4096x1024xf32, #tpu.memory_space<hbm>> -> memref<8x1024xf32, #tpu.memory_space<hbm>>
        %dma_wait3A_29 = arith.constant 0 : i32
        %dma_wait3A_30 = tpu.memref_slice %arg2[%add3A_18, %dma_wait3A_29] : memref<4096x1024xf32, #tpu.memory_space<hbm>> -> memref<8x1024xf32, #tpu.memory_space<hbm>>
        tpu.wait_dma2 semaphore(%run_scoped3A : memref<!tpu.dma_semaphore, #tpu.memory_space<semaphore_mem>>) src(%dma_wait3A_30 : memref<8x1024xf32, #tpu.memory_space<hbm>>) dst(%arg4 : memref<8x1024xf32, #tpu.memory_space<vmem>>)
        tpu.yield
      }) : () -> ()
      %scan3A_19 = arith.constant 0 : i32
      %scan3A_20 = arith.constant 0 : i32
      %scan3A_21 = arith.constant 8 : i32
      %scan3A_22 = arith.addi %scan3A_20, %scan3A_21 : i32
      %scan3A_23 = arith.constant 1 : i32
      scf.for %scan3A_25 = %scan3A_20 to %scan3A_22 step %scan3A_23  : i32 {
        %scan3A_26 = arith.constant 0 : i32
        %scan3A_27 = arith.constant 64 : i32
        %scan3A_28 = arith.addi %scan3A_26, %scan3A_27 : i32
        %scan3A_29 = arith.constant 1 : i32
        %scan3A_30 = scf.for %scan3A_93 = %scan3A_26 to %scan3A_28 step %scan3A_29 iter_args(%scan3A_94 = %broadcast_in_dim3A_5) -> (vector<16xi32>)  : i32 {
          %mul3A_95 = arith.constant 16 : i32
          %mul3A_96 = arith.muli %scan3A_93, %mul3A_95 : i32
          %get3A = arith.index_cast %scan3A_25 : i32 to index
          %get3A_97 = arith.index_cast %mul3A_96 : i32 to index
          %get3A_98 = tpu.vector_load %arg4[%get3A, %get3A_97] {strides = array<i32>} : memref<8x1024xf32, #tpu.memory_space<vmem>>, vector<1x16xf32>,
          %get3A_99 = vector.shape_cast %get3A_98 : vector<1x16xf32> to vector<16xf32>
          %lt3A_100 = arith.constant 0.000000e+00 : f32
          %lt3A_101 = vector.broadcast %lt3A_100 : f32 to vector<16xf32>
          %lt3A_102 = arith.cmpf olt, %get3A_99, %lt3A_101 : vector<16xf32>
          %select_n3A_103 = arith.select %lt3A_102, %broadcast_in_dim3A_3, %broadcast_in_dim3A_5 : vector<16xi1>, vector<16xi32>
          %add3A_104 = arith.addi %scan3A_94, %select_n3A_103 : vector<16xi32>
          scf.yield %add3A_104 : vector<16xi32>
        }
        %scan3A_31 = arith.constant 64 : i32
        %and3A = arith.constant 1 : i32
        %and3A_32 = vector.broadcast %and3A : i32 to vector<16xi32>
        %and3A_33 = arith.andi %scan3A_30, %and3A_32 : vector<16xi32>
        %iota3A = tpu.iota {dimensions = array<i32: 0>} : vector<16xi32>
        %xor3A = arith.constant 8 : i32
        %xor3A_34 = vector.broadcast %xor3A : i32 to vector<16xi32>
        %xor3A_35 = arith.xori %iota3A, %xor3A_34 : vector<16xi32>
        %lt3A = arith.constant 0 : i32
        %lt3A_36 = vector.broadcast %lt3A : i32 to vector<16xi32>
        %lt3A_37 = arith.cmpi slt, %xor3A_35, %lt3A_36 : vector<16xi32>
        %add3A_38 = arith.constant 16 : i32
        %add3A_39 = vector.broadcast %add3A_38 : i32 to vector<16xi32>
        %add3A_40 = arith.addi %xor3A_35, %add3A_39 : vector<16xi32>
        %select_n3A = arith.select %lt3A_37, %add3A_40, %xor3A_35 : vector<16xi1>, vector<16xi32>
        %broadcast_in_dim3A_41 = vector.shape_cast %select_n3A : vector<16xi32> to vector<16x1xi32>
        %gather3A = vector.shape_cast %broadcast_in_dim3A_41 : vector<16x1xi32> to vector<16xi32>
        %gather3A_42 = tpu.dynamic_gather %and3A_33[%gather3A] in [0] : vector<16xi32>, vector<16xi32> -> vector<16xi32>
        %xor3A_43 = arith.xori %and3A_33, %gather3A_42 : vector<16xi32>
        %xor3A_44 = arith.constant 4 : i32
        %xor3A_45 = vector.broadcast %xor3A_44 : i32 to vector<16xi32>
        %xor3A_46 = arith.xori %iota3A, %xor3A_45 : vector<16xi32>
        %lt3A_47 = arith.constant 0 : i32
        %lt3A_48 = vector.broadcast %lt3A_47 : i32 to vector<16xi32>
        %lt3A_49 = arith.cmpi slt, %xor3A_46, %lt3A_48 : vector<16xi32>
        %add3A_50 = arith.constant 16 : i32
        %add3A_51 = vector.broadcast %add3A_50 : i32 to vector<16xi32>
        %add3A_52 = arith.addi %xor3A_46, %add3A_51 : vector<16xi32>
        %select_n3A_53 = arith.select %lt3A_49, %add3A_52, %xor3A_46 : vector<16xi1>, vector<16xi32>
        %broadcast_in_dim3A_54 = vector.shape_cast %select_n3A_53 : vector<16xi32> to vector<16x1xi32>
        %gather3A_55 = vector.shape_cast %broadcast_in_dim3A_54 : vector<16x1xi32> to vector<16xi32>
        %gather3A_56 = tpu.dynamic_gather %xor3A_43[%gather3A_55] in [0] : vector<16xi32>, vector<16xi32> -> vector<16xi32>
        %xor3A_57 = arith.xori %xor3A_43, %gather3A_56 : vector<16xi32>
        %xor3A_58 = arith.constant 2 : i32
        %xor3A_59 = vector.broadcast %xor3A_58 : i32 to vector<16xi32>
        %xor3A_60 = arith.xori %iota3A, %xor3A_59 : vector<16xi32>
        %lt3A_61 = arith.constant 0 : i32
        %lt3A_62 = vector.broadcast %lt3A_61 : i32 to vector<16xi32>
        %lt3A_63 = arith.cmpi slt, %xor3A_60, %lt3A_62 : vector<16xi32>
        %add3A_64 = arith.constant 16 : i32
        %add3A_65 = vector.broadcast %add3A_64 : i32 to vector<16xi32>
        %add3A_66 = arith.addi %xor3A_60, %add3A_65 : vector<16xi32>
        %select_n3A_67 = arith.select %lt3A_63, %add3A_66, %xor3A_60 : vector<16xi1>, vector<16xi32>
        %broadcast_in_dim3A_68 = vector.shape_cast %select_n3A_67 : vector<16xi32> to vector<16x1xi32>
        %gather3A_69 = vector.shape_cast %broadcast_in_dim3A_68 : vector<16x1xi32> to vector<16xi32>
        %gather3A_70 = tpu.dynamic_gather %xor3A_57[%gather3A_69] in [0] : vector<16xi32>, vector<16xi32> -> vector<16xi32>
        %xor3A_71 = arith.xori %xor3A_57, %gather3A_70 : vector<16xi32>
        %xor3A_72 = arith.constant 1 : i32
        %xor3A_73 = vector.broadcast %xor3A_72 : i32 to vector<16xi32>
        %xor3A_74 = arith.xori %iota3A, %xor3A_73 : vector<16xi32>
        %lt3A_75 = arith.constant 0 : i32
        %lt3A_76 = vector.broadcast %lt3A_75 : i32 to vector<16xi32>
        %lt3A_77 = arith.cmpi slt, %xor3A_74, %lt3A_76 : vector<16xi32>
        %add3A_78 = arith.constant 16 : i32
        %add3A_79 = vector.broadcast %add3A_78 : i32 to vector<16xi32>
        %add3A_80 = arith.addi %xor3A_74, %add3A_79 : vector<16xi32>
        %select_n3A_81 = arith.select %lt3A_77, %add3A_80, %xor3A_74 : vector<16xi1>, vector<16xi32>
        %broadcast_in_dim3A_82 = vector.shape_cast %select_n3A_81 : vector<16xi32> to vector<16x1xi32>
        %gather3A_83 = vector.shape_cast %broadcast_in_dim3A_82 : vector<16x1xi32> to vector<16xi32>
        %gather3A_84 = tpu.dynamic_gather %xor3A_71[%gather3A_83] in [0] : vector<16xi32>, vector<16xi32> -> vector<16xi32>
        %xor3A_85 = arith.xori %xor3A_71, %gather3A_84 : vector<16xi32>
        %eq3A = arith.constant 0 : i32
        %eq3A_86 = vector.broadcast %eq3A : i32 to vector<16xi32>
        %eq3A_87 = arith.cmpi eq, %xor3A_85, %eq3A_86 : vector<16xi32>
        %scan3A_88 = arith.constant 0 : i32
        %scan3A_89 = arith.constant 64 : i32
        %scan3A_90 = arith.addi %scan3A_88, %scan3A_89 : i32
        %scan3A_91 = arith.constant 1 : i32
        scf.for %scan3A_93 = %scan3A_88 to %scan3A_90 step %scan3A_91  : i32 {
          %mul3A_94 = arith.constant 16 : i32
          %mul3A_95 = arith.muli %scan3A_93, %mul3A_94 : i32
          %get3A = arith.index_cast %scan3A_25 : i32 to index
          %get3A_96 = arith.index_cast %mul3A_95 : i32 to index
          %get3A_97 = tpu.vector_load %arg4[%get3A, %get3A_96] {strides = array<i32>} : memref<8x1024xf32, #tpu.memory_space<vmem>>, vector<1x16xf32>,
          %get3A_98 = vector.shape_cast %get3A_97 : vector<1x16xf32> to vector<16xf32>
          %lt3A_99 = arith.constant 0.000000e+00 : f32
          %lt3A_100 = vector.broadcast %lt3A_99 : f32 to vector<16xf32>
          %lt3A_101 = arith.cmpf olt, %get3A_98, %lt3A_100 : vector<16xf32>
          %and3A_102 = arith.andi %lt3A_101, %eq3A_87 : vector<16xi1>
          %select_n3A_103 = arith.select %and3A_102, %broadcast_in_dim3A_7, %broadcast_in_dim3A_9 : vector<16xi1>, vector<16xf32>
          %mul3A_104 = arith.constant 16 : i32
          %mul3A_105 = arith.muli %scan3A_93, %mul3A_104 : i32
          %swap3A = arith.index_cast %scan3A_25 : i32 to index
          %swap3A_106 = arith.index_cast %mul3A_105 : i32 to index
          %swap3A_107 = tpu.vector_load %arg5[%swap3A, %swap3A_106] {strides = array<i32>} : memref<8x1024xf32, #tpu.memory_space<vmem>>, vector<1x16xf32>,
          %swap3A_108 = vector.shape_cast %swap3A_107 : vector<1x16xf32> to vector<16xf32>
          %swap3A_109 = vector.shape_cast %select_n3A_103 : vector<16xf32> to vector<1x16xf32>
          tpu.vector_store %arg5[%swap3A, %swap3A_106], %swap3A_109 {strides = array<i32>} : memref<8x1024xf32, #tpu.memory_space<vmem>>, vector<1x16xf32>,
        }
        %scan3A_92 = arith.constant 64 : i32
      }
      %scan3A_24 = arith.constant 8 : i32
      "tpu.region"() ({
        %run_scoped3A = tpu.sem_alloc : memref<!tpu.dma_semaphore, #tpu.memory_space<semaphore_mem>>
        %dma_start3A = arith.constant 0 : i32
        %dma_start3A_25 = tpu.memref_slice %arg3[%add3A_18, %dma_start3A] : memref<4096x1024xf32, #tpu.memory_space<hbm>> -> memref<8x1024xf32, #tpu.memory_space<hbm>>
        %dma_start3A_26 = arith.constant 0 : i32
        %dma_start3A_27 = tpu.memref_slice %arg3[%add3A_18, %dma_start3A_26] : memref<4096x1024xf32, #tpu.memory_space<hbm>> -> memref<8x1024xf32, #tpu.memory_space<hbm>>
        tpu.enqueue_dma source(%arg5 : memref<8x1024xf32, #tpu.memory_space<vmem>>) target(%dma_start3A_27 : memref<8x1024xf32, #tpu.memory_space<hbm>>) target_semaphore(%run_scoped3A : memref<!tpu.dma_semaphore, #tpu.memory_space<semaphore_mem>>)
        %dma_wait3A = arith.constant 0 : i32
        %dma_wait3A_28 = tpu.memref_slice %arg3[%add3A_18, %dma_wait3A] : memref<4096x1024xf32, #tpu.memory_space<hbm>> -> memref<8x1024xf32, #tpu.memory_space<hbm>>
        %dma_wait3A_29 = arith.constant 0 : i32
        %dma_wait3A_30 = tpu.memref_slice %arg3[%add3A_18, %dma_wait3A_29] : memref<4096x1024xf32, #tpu.memory_space<hbm>> -> memref<8x1024xf32, #tpu.memory_space<hbm>>
        tpu.wait_dma2 semaphore(%run_scoped3A : memref<!tpu.dma_semaphore, #tpu.memory_space<semaphore_mem>>) src(%arg5 : memref<8x1024xf32, #tpu.memory_space<vmem>>) dst(%dma_wait3A_30 : memref<8x1024xf32, #tpu.memory_space<hbm>>)
        tpu.yield
      }) : () -> ()
    }
    %scan3A_14 = arith.constant 16 : i32
    return
  }
}

</mosaic_0001>

<sc_bundles>
// kernel: kernel.3.cloned.1.call-start
scs
__scs_entry_jumppad:
0x0: {  	(pc) =	sbr.rel $0x88, $3  }
0x1: {  	(tag) =	ssettag $0x0;
	lr =	simm.s32 $0x1  }
0x2: {  	[smem:$0x3FA0] =	sst lr;
	_ =	strace $0xD0000000  }
0x3: {  	_ = 	snop  }
0x4: {  	_ = 	snop  }
0x5: {  	_ = 	snop  }
0x6: {  	_ = 	snop  }
0x7: {  	_ = 	snop  }
__scs_overlays_trampoline_lowered:
0x8: {  	[smem:$0x3FAF] =	sst s0  }
0x9: {  	[smem:$0x3FB0] =	sst s1  }
0xa: {  	[smem:$0x3FB1] =	sst s2  }
0xb: {  	[smem:$0x3FB2] =	sst s3  }
0xc: {  	[smem:$0x3FB3] =	sst s4  }
0xd: {  	[smem:$0x3FB4] =	sst s5  }
0xe: {  	[smem:$0x3FB5] =	sst s6  }
0xf: {  	[smem:$0x3FB6] =	sst s7  }
0x10: {  	[smem:$0x3FB7] =	sst s8  }
0x11: {  	[smem:$0x3FB8] =	sst s9;
	s0 =	simm.s32 @!p0 $0x0  }
0x12: {  	s1 =	sld [smem:$0x3F9E];
	s0 =	simm.s32 @p0 $0x1  }
0x13: {  	[smem:$0x3FB9] =	sst s0;
	s0 =	simm.s32 @!p1 $0x0  }
0x14: {  	s2 =	sld [smem:$0x3F9D];
	s0 =	simm.s32 @p1 $0x1  }
0x15: {  	[smem:$0x3FBA] =	sst s0;
	s0 =	simm.s32 @!p2 $0x0  }
0x16: {  	s3 =	sld [smem:$0x3FDB];
	s0 =	simm.s32 @p2 $0x1  }
0x17: {  	s4 =	simm.s32 $0x1BF5;
	[smem:$0x3FBC] =	sst s0  }
0x18: {  	s0 =	sld [smem:$0x3F9F];
	_ =	swait.ge [sflag:s4], $0x0  }
0x19: {  	s7 =	sld [smem:$0x3FA0]  }
0x1a: {  	s8 =	sadd.s32 $0xFFFFE003, lr  }
0x1b: {  	s9 =	sadd.s32 $0xFFFFFEF7, lr;
	s5 =	simm.s32 $0xFFFFFFFF;
	p2 =	slt.u32 s8, $0xFFFFF086  }
0x1c: {  	p1 =	slt.u32 s9, $0xF7A;
	s5 =	simm.s32 @!p2 $0x0  }
0x1d: {  	s5 =	simm.s32 @p1 $0x1;
	p0 =	seq.s32 s7, s2  }
0x1e: {  	s7 =	smul.u32 @!p0 $0xF7A, s2;
	p2 =	seq.s32 @!p0 s5, $0x0  }
0x1f: {  	s9 =	smul.u32 $0xF7A, s1;
	s8 =	simm.s32 @!p0 $0x1BF5;
	p2 =	por !p2, p0  }
0x20: {  	[sflag:s8] =	ssyncset.s32 @!p0 $0xFFFFF086;
	s6 =	sadd.s32 @!p0 s3, s7;
	s7 =	simm.s32 @!p0 $0x108  }
0x21: {  	s3 =	sadd.s32 s3, s9;
	s6 =	sadd.s32 @!p0 $0x88, s6;
	s7 =	simm.s32 @p2 $0x1082  }
0x22: {  	[simem:s7], [sflag:s8] =	dma.local @!p0 [hbm:s6], $0xF7A  }
0x23: {  	s9 =	sor.u32 $0xD0000000, s2;
	s6 =	simm.s32 $0x108;
	_ =	swait.ge @!p0 [sflag:s8], $0x0  }
0x24: {  	s3 =	sadd.s32 $0x88, s3;
	s6 =	simm.s32 @!p1 $0x1082;
	[sflag:s4] =	ssyncset.s32 $0xFFFFF086  }
0x25: {  	[simem:s6], [sflag:s4] =	dma.local [hbm:s3], $0xF7A  }
0x26: {  	[smem:$0x3FA0] =	sst s1;
	(tag) =	ssettag s2;
	_ =	strace s9  }
0x27: {  	s1 =	sld [smem:$0x3FB0]  }
0x28: {  	s2 =	sld [smem:$0x3FB1]  }
0x29: {  	s4 =	sld [smem:$0x3FB3]  }
0x2a: {  	p0 =	seq.s32 s5, $0x0;
	s5 =	sld [smem:$0x3FB4]  }
0x2b: {  	s6 =	sld [smem:$0x3FB5]  }
0x2c: {  	s7 =	sld [smem:$0x3FB6]  }
0x2d: {  	s3 =	simm.s32 $0x108;
	s8 =	sld [smem:$0x3FB7]  }
0x2e: {  	s3 =	simm.s32 @!p0 $0x1082;
	s9 =	sld [smem:$0x3FB8]  }
0x2f: {  	lr =	sadd.s32 s0, s3;
	s0 =	sld [smem:$0x3FAF]  }
0x30: {  	s3 =	sld [smem:$0x3FB2]  }
0x31: {  	[smem:$0x3FBB] =	sst s10  }
0x32: {  	s10 =	sld [smem:$0x3FB9];
	_ =	sdelay $0x3  }
0x33: {  	p0 =	seq.s32 s10, $0x1;
	s10 =	sld [smem:$0x3FBB];
	_ =	sdelay $0x3  }
0x34: {  	[smem:$0x3FBB] =	sst s10  }
0x35: {  	s10 =	sld [smem:$0x3FBA];
	_ =	sdelay $0x3  }
0x36: {  	p1 =	seq.s32 s10, $0x1;
	s10 =	sld [smem:$0x3FBB];
	_ =	sdelay $0x3  }
0x37: {  	[smem:$0x3FBB] =	sst s10  }
0x38: {  	s10 =	sld [smem:$0x3FBC]  }
0x39: {  	_ = 	snop;
	(pc) =	sbr.ind lr, $3  }
0x3a: {  	_ = 	snop  }
0x3b: {  	_ = 	snop  }
0x3c: {  	p2 =	seq.s32 s10, $0x1;
	s10 =	sld [smem:$0x3FBB]  }
0x3d: {  	_ =	shalt  }
0x3e: {  	_ =	shalt  }
0x3f: {  	_ =	shalt  }
0x40: {  	_ =	shalt  }
0x41: {  	_ =	shalt  }
0x42: {  	_ =	shalt  }
0x43: {  	_ =	shalt  }
0x44: {  	_ =	shalt  }
0x45: {  	_ =	shalt  }
0x46: {  	_ =	shalt  }
0x47: {  	_ =	shalt  }
0x48: {  	_ =	shalt  }
0x49: {  	_ =	shalt  }
0x4a: {  	_ =	shalt  }
0x4b: {  	_ =	shalt  }
0x4c: {  	_ =	shalt  }
0x4d: {  	_ =	shalt  }
0x4e: {  	_ =	shalt  }
0x4f: {  	_ =	shalt  }
0x50: {  	_ =	shalt  }
0x51: {  	_ =	shalt  }
0x52: {  	_ =	shalt  }
0x53: {  	_ =	shalt  }
0x54: {  	_ =	shalt  }
0x55: {  	_ =	shalt  }
0x56: {  	_ =	shalt  }
0x57: {  	_ =	shalt  }
0x58: {  	_ =	shalt  }
0x59: {  	_ =	shalt  }
0x5a: {  	_ =	shalt  }
0x5b: {  	_ =	shalt  }
0x5c: {  	_ =	shalt  }
0x5d: {  	_ =	shalt  }
0x5e: {  	_ =	shalt  }
0x5f: {  	_ =	shalt  }
0x60: {  	_ =	shalt  }
0x61: {  	_ =	shalt  }
0x62: {  	_ =	shalt  }
0x63: {  	_ =	shalt  }
0x64: {  	_ =	shalt  }
0x65: {  	_ =	shalt  }
0x66: {  	_ =	shalt  }
0x67: {  	_ =	shalt  }
0x68: {  	_ =	shalt  }
0x69: {  	_ =	shalt  }
0x6a: {  	_ =	shalt  }
0x6b: {  	_ =	shalt  }
0x6c: {  	_ =	shalt  }
0x6d: {  	_ =	shalt  }
0x6e: {  	_ =	shalt  }
0x6f: {  	_ =	shalt  }
0x70: {  	_ =	shalt  }
0x71: {  	_ =	shalt  }
0x72: {  	_ =	shalt  }
0x73: {  	_ =	shalt  }
0x74: {  	_ =	shalt  }
0x75: {  	_ =	shalt  }
0x76: {  	_ =	shalt  }
0x77: {  	_ =	shalt  }
0x78: {  	_ =	shalt  }
0x79: {  	_ =	shalt  }
0x7a: {  	_ =	shalt  }
0x7b: {  	_ =	shalt  }
0x7c: {  	_ =	shalt  }
0x7d: {  	_ =	shalt  }
0x7e: {  	_ =	shalt  }
0x7f: {  	_ =	shalt  }
0x80: {  	_ =	shalt  }
0x81: {  	_ =	shalt  }
0x82: {  	_ =	shalt  }
0x83: {  	_ =	shalt  }
0x84: {  	_ =	shalt  }
0x85: {  	_ =	shalt  }
0x86: {  	_ =	shalt  }
0x87: {  	_ =	shalt  }
.Lfunc_end0:
.L_simem_size_0:
called_computation_lowered:
.L_overlay_start_0:
0x88: {  	s2 =	sld [smem:$0x3FD9]  }
0x89: {  	s3 =	sld [smem:$0x3FFE];
	_ =	sdelay $0x1  }
0x8a: {  	s1 =	srdreg.scid  }
0x8b: {  	s0 =	sand.u32 $0x1, s1  }
0x8c: {  	s18 =	sshll.u32 s0, $0xA;
	s2 =	sadd.s32 s3, s2  }
0x8d: {  	s2 =	sadd.s32 s2, s18  }
0x8e: {  	[smem:$0x3FC7] =	sst s2  }
0x8f: {  	_ = 	snop  }
0x90: {  	s2 =	sld [smem:$0x3FC9]  }
0x91: {  	s19 =	sld [smem:$0x3FD0];
	(tm) =	ssettm $0x1  }
0x92: {  	s4 =	sld [smem:$0x3FFB];
	_ =	sdelay $0x3  }
0x93: {  	_ =	strace s4  }
0x94: {  	s4 =	sld [smem:$0x3FFC];
	_ =	sdelay $0x3  }
0x95: {  	_ =	strace s4  }
0x96: {  	s4 =	sld [smem:$0x3FFD];
	_ =	sdelay $0x3  }
0x97: {  	_ =	strace s4  }
0x98: {  	_ =	strace $0x8FFFFFFF  }
0x99: {  	s20 =	sld [smem:$0x3FDB];
	_ =	sdelay $0x1  }
0x9a: {  	s5 =	simm.s32 $_scs_section_size  }
0x9b: {  	s6 =	simm.s32 $_size__tile_overlayer_lowered;
	s7 =	simm.s32 $_tile_overlayer_lowered  }
0x9c: {  	s23 =	simm.s32 $0x1BFF;
	s22 =	sshll.u32 s7, $0x1;
	s4 =	sadd.s32 s5, s20  }
0x9d: {  	s8 =	simm.s32 $0x0;
	s21 =	sshll.u32 s6, $0x1;
	s6 =	sadd.s32 s22, s4  }
0x9e: {  	[timem:s8], [sflag:s23] =	dma.local [hbm:s6], s21  }
0x9f: {  	_ =	swait.ge [sflag:s23], s21  }
0xa0: {  	s5 =	ssub.s32 $0x0, s21;
	[sflag:s23] =	ssyncset.done $0x0  }
0xa1: {  	[sflag:s23] =	ssyncadd.s32 s5;
	_ =	sdelay $0x1  }
0xa2: {  	s24 =	simm.s32 $0x1B8B  }
0xa3: {  	_ =	swait.ge [sflag:s24], $0x1  }
0xa4: {  	[sflag:s24] =	ssyncset.done $0x0  }
0xa5: {  	s25 =	simm.s32 $0x1B8E;
	[sflag:s24] =	ssyncadd.s32 $0xFFFFFFFF  }
0xa6: {  	s26 =	simm.s32 $execute0_lowered;
	[smem:$0x3FD2] =	sst s25  }
0xa7: {  	s5 =	sshll.u32 s26, $0x1;
	_ =	strace $0x80000046;
	[dreg:$0x1] =	wrdreg $0xFFFFFFFF  }
0xa8: {  	s28 =	simm.s32 $_size_execute0_lowered;
	s4 =	sadd.s32 s4, s5;
	[dreg:$0x0] =	wrdreg $0x0  }
0xa9: {  	s5 =	sshll.u32 s28, $0x1;
	[dreg:$0x2] =	wrdreg s4  }
0xaa: {  	[dreg:$0x3] =	wrdreg s5  }
0xab: {  	[dreg:$0x4] =	wrdreg $0xC0  }
0xac: {  	_ =	task [dreg:s8], $0x5FFFF  }
0xad: {  	[dreg:$0x1] =	wrdreg $0xFFFFFFFF  }
0xae: {  	[dreg:$0x0] =	wrdreg $0x60  }
0xaf: {  	[dreg:$0x2] =	wrdreg s2  }
0xb0: {  	[dreg:$0x3] =	wrdreg s19  }
0xb1: {  	[dreg:$0x4] =	wrdreg $0x9  }
0xb2: {  	_ =	task.clear_ibuf [dreg:s8], $0x5FFFF;
	_ =	strace $0x90000046  }
0xb3: {  	s29 =	simm.s32 $0x9;
	_ =	strace $0x80000048  }
0xb4: {  	_ =	swait.ge [sflag:s29], $0x1  }
0xb5: {  	[sflag:s29] =	ssyncadd.s32 $0xFFFFFFFF  }
0xb6: {  	_ =	strace $0x90000048  }
0xb7: {  	_ =	sfence  }
0xb8: {  	s30 =	sld [smem:$0x0];
	_ =	sdelay $0x2  }
0xb9: {  	s31 =	sshll.u32 s1, $0xD;
	s1 =	sshrl.u32 s1, $0x2  }
0xba: {  	s3 =	sand.u32 $0x4000, s31;
	s1 =	sadd.s32 s1, s30  }
0xbb: {  	s0 =	sor.u32 s3, s0;
	s1 =	sshll.u32 s1, $0x11  }
0xbc: {  	s0 =	sor.u32 s1, s0  }
0xbd: {  	s0 =	sadd.s32 $0x8F2B, s0  }
0xbe: {  	[sflag:s0] =	ssyncadd.remote.s32 $0x1  }
0xbf: {  	_ =	sfence.sel $0xFFFF  }
0xc0: {  	[dreg:$0x0] =	wrdreg $0xFFFFFFFF;
	(pc) =	sbr.abs _section_cstart, $3  }
0xc1: {  	[dreg:$0x1] =	wrdreg $0xFFFFFFFF  }
0xc2: {  	_ =	task.clear_ibuf [dreg:s8], $0x2FFFF;
	_ =	strace $0x9FFFFFFF  }
0xc3: {  	(tm) =	ssettm $0x7FFFFFFF  }
tec
execute0_lowered:
.L_overlay_start_1:
0x0: {  	(tag) =	ssettag $0x1  }
0x1: {  	v0 =	vimm.s32 $0xFEDCBA98;
	v1 =	vimm.s32 $0x76543210  }
0x2: {  	v2 =	vimm.s32 $0xBA98FEDC;
	v3 =	vimm.s32 $0x32107654;
	v4 =	vimm.s32 $0xDCFE98BA  }
0x3: {  	v5 =	vimm.s32 $0x54761032;
	v6 =	vimm.s32 $0xEFCDAB89;
	v7 =	vimm.s32 $0x67452301  }
0x4: {  	v0 =	vunpack.c.l.s4.s8 v0;
	v1 =	vunpack.c.l.s4.s8 v1;
	v2 =	vunpack.c.l.s4.s8 v2  }
0x5: {  	s0 =	rddreg [dreg:$0x0];
	s1 =	srdreg.scid;
	v3 =	vunpack.c.l.s4.s8 v3;
	v4 =	vunpack.c.l.s4.s8 v4;
	v5 =	vunpack.c.l.s4.s8 v5  }
0x6: {  	s2 =	rddreg [dreg:$0x1];
	s3 =	simm.s32 $0x0;
	s4 =	stileid.u32;
	v6 =	vunpack.c.l.s4.s8 v6;
	v7 =	vunpack.c.l.s4.s8 v7;
	v0 =	vunpack.c.0.s8.s32 v0  }
0x7: {  	s8 =	simm.s32 $0x2000;
	s9 =	simm.s32 $0x0;
	s5 =	sand.u32 $0x1, s1;
	v1 =	vunpack.c.0.s8.s32 v1;
	v2 =	vunpack.c.0.s8.s32 v2;
	v3 =	vunpack.c.0.s8.s32 v3  }
0x8: {  	s12 =	simm.s32 $0x0;
	s1 =	rddreg [dreg:$0x2];
	s6 =	ssub.s32 $0x2, s5;
	v4 =	vunpack.c.0.s8.s32 v4;
	v5 =	vunpack.c.0.s8.s32 v5;
	v0 =	vand.u32 $0xF, v0  }
0x9: {  	[smem:$0x7FF] =	sst s3;
	s31 =	sshll.u32 s4, $0x5;
	s7 =	sshrl.u32 s6, $0x1;
	v6 =	vunpack.c.0.s8.s32 v6;
	v7 =	vunpack.c.0.s8.s32 v7;
	v0 =	vcombine.low v0, v1  }
0xa: {  	s5 =	sshll.u32 s5, $0x4;
	_ =	strace $0x80000047;
	s6 =	ssub.s32 s6, s7;
	v1 =	vcombine.low v3, v2;
	v2 =	vcombine.low v5, v4  }
0xb: {  	s5 =	sor.u32 s5, s31;
	s7 =	simm.s32 $0x1;
	s6 =	smax.u32 s6, $0x1;
	v3 =	vimm.s32 $0x0;
	v4 =	vcombine.low v7, v6;
	v5 =	vimm.f32 $0.0e+00  }
.LBB2_1:
0xc: {  	s10 =	simm.s32 $0x0  }
.LBB2_2:
0xd: {  	s11 =	sadd.s32 s5, s10  }
0xe: {  	s11 =	sshll.u32 s11, $0xA  }
0xf: {  	s13 =	sadd.s32 s0, s11  }
0x10: {  	[tilespmem:s12], [sflag:$0x1] =	stream.linear.gather [hbm4b:s13+s12], $0x2000, $0x38;
	[tilespmem:$0x4000] =	vst v63  }
0x11: {  	_ =	swait.ge [sflag:s7], $0x2000  }
0x12: {  	[sflag:s7] =	ssyncset.done $0x0  }
0x13: {  	s13 =	simm.s32 $0x0;
	[sflag:s7] =	ssyncadd.s32 $0xFFFFE000  }
.LBB2_3:
0x14: {  	s14 =	sshll.u32 s13, $0x7  }
0x15: {  	s15 =	sand.u32 $0x1C00, s12;
	s14 =	sand.u32 $0x3FFFFF80, s14  }
0x16: {  	s16 =	sand.u32 $0x70, s12;
	s15 =	sadd.s32 s15, s14  }
0x17: {  	s16 =	sadd.s32 s16, s15  }
0x18: {  	v7 =	vld [tilespmem:s16+$0x0]  }
0x19: {  	v6 =	vimm.s32 $0x0;
	s15 =	simm.s32 $0x10;
	s16 =	simm.s32 $0x80  }
.LBB2_4:
0x1a: {  	s17 =	sand.u32 $0x1C00, s16  }
0x1b: {  	p0 =	sne.s32 s15, $0x3F0;
	s18 =	smov.u32 s15;
	s15 =	sadd.s32 $0x10, s15  }
.Ltmp0:
0x1c: {  	s18 =	sand.u32 $0x70, s18;
	s17 =	sadd.s32 s17, s14;
	(pc) =	sbr.rel @p0 .LBB2_4-.Ltmp0, $4  }
0x1d: {  	s17 =	sadd.s32 s18, s17;
	vm0 =	vlt.f32 v7, $0.0e+00  }
0x1e: {  	v7 =	vld [tilespmem:s17+$0x0];
	v8 =	vsel vm0, $0x1, v3  }
0x1f: {  	v6 =	vadd.s32 v8, v6  }
0x20: {  	s16 =	sadd.s32 $0x80, s16  }
0x21: {  	_ =	sdelay $0x1  }
0x22: {  	vm0 =	vlt.f32 v7, $0.0e+00  }
0x23: {  	v7 =	vsel vm0, $0x1, v3  }
0x24: {  	v6 =	vadd.s32 v7, v6  }
0x25: {  	v6 =	vand.u32 $0x1, v6  }
0x26: {  	v7 =	vperm.xlane v6, v0  }
0x27: {  	s14 =	simm.s32 $0x0  }
0x28: {  	s15 =	sand.u32 $0x38, s14;
	v6 =	vxor.u32 v6, v7  }
0x29: {  	s15 =	sadd.s32 s13, s15;
	v7 =	vperm.xlane v6, v1  }
0x2a: {  	s14 =	sand.u32 $0x70, s14;
	s15 =	sshll.u32 s15, $0x7  }
0x2b: {  	s14 =	sor.u32 s14, s15;
	v6 =	vxor.u32 v7, v6  }
0x2c: {  	v8 =	vld [tilespmem:s14+$0x0];
	v7 =	vperm.xlane v6, v2  }
0x2d: {  	s31 =	simm.s32 $0x1  }
0x2e: {  	s15 =	sand.u32 $0x38, s31;
	v6 =	vxor.u32 v7, v6  }
0x2f: {  	s16 =	simm.s32 $0x10;
	s15 =	sadd.s32 s13, s15;
	v7 =	vperm.xlane v6, v4  }
0x30: {  	s17 =	sand.u32 $0x70, s16;
	s15 =	sshll.u32 s15, $0x7  }
0x31: {  	s15 =	sor.u32 s17, s15;
	vm1 =	vlt.f32 v8, $0.0e+00;
	vm0 =	veq.s32 v6, v7  }
0x32: {  	v6 =	vld [tilespmem:s15+$0x0];
	vm1 =	vmand vm0, vm1  }
0x33: {  	s17 =	simm.s32 $0x2;
	v7 =	vsel vm1, $0x3F800000, v5  }
.LBB2_6:
0x34: {  	s18 =	sand.u32 $0x38, s17;
	p0 =	sne.s32 s17, $0x3F;
	s17 =	sadd.s32 $0x1, s17;
	[tilespmem:s14+$0x2000] =	vst v7  }
.Ltmp1:
0x35: {  	s16 =	sadd.s32 $0x10, s16;
	s14 =	sadd.s32 s13, s18;
	(pc) =	sbr.rel @p0 .LBB2_6-.Ltmp1, $4  }
0x36: {  	s18 =	sand.u32 $0x70, s16;
	s19 =	sshll.u32 s14, $0x7;
	s14 =	smov.u32 s15  }
0x37: {  	s15 =	sor.u32 s18, s19;
	vm1 =	vlt.f32 v6, $0.0e+00  }
0x38: {  	v6 =	vld [tilespmem:s15+$0x0];
	vm1 =	vmand vm0, vm1  }
0x39: {  	v7 =	vsel vm1, $0x3F800000, v5  }
0x3a: {  	s13 =	sadd.s32 $0x1, s13  }
0x3b: {  	p0 =	sne.s32 s13, $0x8  }
.Ltmp2:
0x3c: {  	_ = 	snop;
	(pc) =	sbr.rel @p0 .LBB2_3-.Ltmp2, $4  }
0x3d: {  	vm1 =	vlt.f32 v6, $0.0e+00  }
0x3e: {  	vm0 =	vmand vm0, vm1  }
0x3f: {  	[tilespmem:s14+$0x2000] =	vst v7;
	v6 =	vsel vm0, $0x3F800000, v5  }
0x40: {  	[tilespmem:s15+$0x2000] =	vst v6  }
0x41: {  	s10 =	sadd.s32 $0x1, s10  }
0x42: {  	p0 =	sne.s32 s10, $0x10  }
.Ltmp3:
0x43: {  	s11 =	sadd.s32 s2, s11;
	(pc) =	sbr.rel @p0 .LBB2_2-.Ltmp3, $4  }
0x44: {  	[hbm4b:s11+s3] =	stream.linear.scatter [tilespmem:s8], [sflag:$0x1], $0x2000, $0x38;
	[tilespmem:$0x4000] =	vst v63  }
0x45: {  	_ =	swait.ge [sflag:s7], $0x2000  }
0x46: {  	[sflag:s7] =	ssyncset.done $0x0  }
0x47: {  	[sflag:s7] =	ssyncadd.s32 $0xFFFFE000  }
0x48: {  	s9 =	sadd.s32 $0x1, s9  }
0x49: {  	p0 =	sne.s32 s9, s6  }
.Ltmp4:
0x4a: {  	_ = 	snop;
	(pc) =	sbr.rel @p0 .LBB2_1-.Ltmp4, $1  }
0x4b: {  	_ =	sdelay $0x3  }
0x4c: {  	_ =	sfence.sel $0x180000  }
0x4d: {  	[bflag:$0x0] =	sbarrier.arrive $0xFFFF  }
0x4e: {  	p0 =	sne.s32 s4, $0x0;
	_ =	strace $0x90000047  }
0x4f: {  	s0 =	sadd.s32 @!p0 $0x100000, s1;
	[bflag:$0x2] =	sbarrier.arrive $0xFFFF  }
0x50: {  	[sflag:s0] =	ssyncadd.tile.s32 @!p0 $0x1;
	_ =	shalt  }
.Lfunc_end2:
_tile_overlayer_lowered:
.L_overlay_start_2:
0x51: {  	(tag) =	ssettag $0x2  }
0x52: {  	s0 =	rddreg [dreg:$0x0];
	s2 =	stileid.u32  }
0x53: {  	s1 =	rddreg [dreg:$0x1];
	p0 =	sne.s32 s2, $0x0  }
0x54: {  	s3 =	rddreg [dreg:$0x2];
	[bflag:$0x3] =	sbarrier.arrive $0xFFFF;
	s2 =	simm.s32 @!p0 $0x1C01  }
0x55: {  	[timem:s3], [sflag:s2] =	dma.local @!p0 [hbm:s0], s1  }
0x56: {  	s0 =	simm.s32 @!p0 $0x1  }
0x57: {  	_ =	swait.ge @!p0 [sflag:s0], s1  }
0x58: {  	s1 =	ssub.s32 @!p0 $0x0, s1;
	[sflag:s0] =	ssyncset.done @!p0 $0x0  }
0x59: {  	[sflag:s0] =	ssyncadd.s32 @!p0 s1  }
0x5a: {  	[bflag:$0x3] =	sbarrier.arrive $0xFFFF  }
0x5b: {  	_ =	shalt  }

</sc_bundles>
